<compile_context>
chip_gen: v7x
topology: tpu7x:2x2x1
jax: 0.10.2.dev20260603
libtpu: 0.0.44.dev20260713+nightly
codegen_flags: <defaults>
</compile_context>

<pallas_src>
import functools

import jax
import jax.numpy as jnp
import numpy as np
from jax import lax
from jax.experimental import pallas as pl
from jax.experimental.pallas import tpu as pltpu
from jax.experimental.pallas import tpu_sc as plsc

_NUM_BOUNDS = 61
_B = [np.float32(-3.0 + 0.1 * i) for i in range(_NUM_BOUNDS)]
_INF = np.float32(np.inf)
_TABLE = np.asarray(_B + [_INF] * 3, dtype=np.float32)

_MAGIC = np.float32(8388608.0 + 30.0)
_BIAS_LO = np.float32(8388608.0)
_BIAS_HI = np.float32(8388608.0 + 61.0)
_BASE_BITS = np.int32(0x4B000000)

_NC = 2
_NS = 16
_NW = _NC * _NS
_L = 16
_BLK = 16384


def _sc_body(n_chunks, x_hbm, tbl_hbm, out_hbm,
             x0, x1, y0, y1, tbl, si0, si1, so0, so1):
    wid = lax.axis_index("s") * _NC + lax.axis_index("c")
    per_tile = n_chunks * _BLK
    base = wid * per_tile

    pltpu.sync_copy(tbl_hbm, tbl)

    xb, yb, sin, sout = (x0, x1), (y0, y1), (si0, si1), (so0, so1)

    def in_copy(g, b):
        return pltpu.make_async_copy(
            x_hbm.at[pl.ds(base + g * _BLK, _BLK)], xb[b], sin[b])

    def out_copy(g, b):
        return pltpu.make_async_copy(
            yb[b], out_hbm.at[pl.ds(base + g * _BLK, _BLK)], sout[b])

    def compute_block(xbuf, ybuf):
        @plsc.parallel_loop(0, _BLK, step=_L, unroll=8)
        def _(i):
            xv = xbuf[pl.ds(i, _L)]
            t = xv * jnp.float32(10.0) + _MAGIC
            c = jnp.minimum(jnp.maximum(t, _BIAS_LO), _BIAS_HI)
            k = lax.bitcast_convert_type(c, jnp.int32) - _BASE_BITS
            lo = plsc.load_gather(tbl, [k])
            ybuf[pl.ds(i, _L)] = k + (xv >= lo).astype(jnp.int32)


    in_copy(0, 0).start()
    in_copy(1, 1).start()

    def pair_body(p, carry):
        for b in (0, 1):
            g = 2 * p + b
            in_copy(g, b).wait()

            @pl.when(p > 0)
            def _():
                out_copy(g - 2, b).wait()

            compute_block(xb[b], yb[b])
            out_copy(g, b).start()

            @pl.when(g + 2 < n_chunks)
            def _():
                in_copy(g + 2, b).start()

        return carry

    lax.fori_loop(0, n_chunks // 2, pair_body, 0)
    out_copy(n_chunks - 2, 0).wait()
    out_copy(n_chunks - 1, 1).wait()



@jax.jit
def kernel(x):
    n = x.shape[0]
    assert n % (_NW * _BLK) == 0, n
    n_chunks = n // (_NW * _BLK)
    assert n_chunks % 2 == 0, n_chunks
    mesh = plsc.VectorSubcoreMesh(core_axis_name="c", subcore_axis_name="s")
    run = pl.kernel(
        functools.partial(_sc_body, n_chunks),
        out_type=jax.ShapeDtypeStruct((n,), jnp.int32),
        mesh=mesh,
        scratch_types=[
            pltpu.VMEM((_BLK,), jnp.float32),
            pltpu.VMEM((_BLK,), jnp.float32),
            pltpu.VMEM((_BLK,), jnp.int32),
            pltpu.VMEM((_BLK,), jnp.int32),
            pltpu.VMEM((64,), jnp.float32),
            pltpu.SemaphoreType.DMA,
            pltpu.SemaphoreType.DMA,
            pltpu.SemaphoreType.DMA,
            pltpu.SemaphoreType.DMA,
        ],
        compiler_params=pltpu.CompilerParams(needs_layout_passes=False),
    )
    return run(x, jnp.asarray(_TABLE))

# --- scband reference (transcript-rebuilt; emitter-appended) ---
"""Pipeline reference for scband-bucketizer-76553497084691 (READ-ONLY COPY).

The authoritative reference and input builder live on the scoring server;
editing this copy changes nothing except your own understanding.
"""

import jax, jax.numpy as jnp
import numpy as np

BOUNDARIES = jnp.asarray([-3.0 + 0.1 * i for i in range(61)], dtype=jnp.float32)


def setup_inputs(seed: int = 0) -> dict:
    key = jax.random.key(seed)
    x = jax.random.normal(key, (33554432,), dtype=jnp.float32)
    return {"x": x}


def reference(x):
    # TF's Bucketize: result i satisfies boundaries[i-1] <= x < boundaries[i];
    # x < boundaries[0] -> 0, x >= boundaries[-1] -> len(boundaries).
    # This is exactly searchsorted with side='right' on the boundary list.
    return jnp.searchsorted(BOUNDARIES, x, side='right').astype(jnp.int32)

if __name__ == "__main__":
    import jax
    _d = setup_inputs()
    print(jax.jit(kernel)(*tuple(_d.values())))

</pallas_src>

<mosaic_0001>
#map = affine_map<(d0, d1) -> (0)>
module attributes {stable_mosaic.version = 14 : i64} {
  func.func @_sc_body(%arg0: i32, %arg1: i32, %arg2: memref<33554432xf32, #tpu.memory_space<hbm>>, %arg3: memref<64xf32, #tpu.memory_space<hbm>>, %arg4: memref<33554432xi32, #tpu.memory_space<hbm>>, %arg5: memref<16384xf32, #tpu.memory_space<vmem>>, %arg6: memref<16384xf32, #tpu.memory_space<vmem>>, %arg7: memref<16384xi32, #tpu.memory_space<vmem>>, %arg8: memref<16384xi32, #tpu.memory_space<vmem>>, %arg9: memref<64xf32, #tpu.memory_space<vmem>>, %arg10: memref<!tpu.dma_semaphore, #tpu.memory_space<semaphore_mem>>, %arg11: memref<!tpu.dma_semaphore, #tpu.memory_space<semaphore_mem>>, %arg12: memref<!tpu.dma_semaphore, #tpu.memory_space<semaphore_mem>>, %arg13: memref<!tpu.dma_semaphore, #tpu.memory_space<semaphore_mem>>) attributes {dimension_semantics = [#tpu.dimension_semantics<core_parallel>, #tpu.dimension_semantics<subcore_parallel>], iteration_bounds = array<i64: 2, 16>, scalar_prefetch = 0 : i64, scratch_operands = 9 : i64, tpu.core_type = #tpu.core_type<sc_vector_subcore>, window_params = [{transform_indices = #map}, {transform_indices = #map}, {transform_indices = #map}]} {
    %mul3A = arith.constant 2 : i32
    %mul3A_0 = arith.muli %arg1, %mul3A : i32
    %add3A = arith.addi %mul3A_0, %arg0 : i32
    %mul3A_1 = arith.constant 1048576 : i32
    %mul3A_2 = arith.muli %add3A, %mul3A_1 : i32
    "tpu.region"() ({
      %run_scoped3A = tpu.sem_alloc : memref<!tpu.dma_semaphore, #tpu.memory_space<semaphore_mem>>
      tpu.enqueue_dma source(%arg3 : memref<64xf32, #tpu.memory_space<hbm>>) target(%arg9 : memref<64xf32, #tpu.memory_space<vmem>>) target_semaphore(%run_scoped3A : memref<!tpu.dma_semaphore, #tpu.memory_space<semaphore_mem>>)
      tpu.wait_dma2 semaphore(%run_scoped3A : memref<!tpu.dma_semaphore, #tpu.memory_space<semaphore_mem>>) src(%arg3 : memref<64xf32, #tpu.memory_space<hbm>>) dst(%arg9 : memref<64xf32, #tpu.memory_space<vmem>>)
      tpu.yield
    }) : () -> ()
    %add3A_3 = arith.constant 0 : i32
    %add3A_4 = arith.addi %mul3A_2, %add3A_3 : i32
    %dma_start3A = tpu.memref_slice %arg2[%add3A_4] : memref<33554432xf32, #tpu.memory_space<hbm>> -> memref<16384xf32, #tpu.memory_space<hbm>>
    %dma_start3A_5 = tpu.memref_slice %arg2[%add3A_4] : memref<33554432xf32, #tpu.memory_space<hbm>> -> memref<16384xf32, #tpu.memory_space<hbm>>
    tpu.enqueue_dma source(%dma_start3A_5 : memref<16384xf32, #tpu.memory_space<hbm>>) target(%arg5 : memref<16384xf32, #tpu.memory_space<vmem>>) target_semaphore(%arg10 : memref<!tpu.dma_semaphore, #tpu.memory_space<semaphore_mem>>)
    %add3A_6 = arith.constant 16384 : i32
    %add3A_7 = arith.addi %mul3A_2, %add3A_6 : i32
    %dma_start3A_8 = tpu.memref_slice %arg2[%add3A_7] : memref<33554432xf32, #tpu.memory_space<hbm>> -> memref<16384xf32, #tpu.memory_space<hbm>>
    %dma_start3A_9 = tpu.memref_slice %arg2[%add3A_7] : memref<33554432xf32, #tpu.memory_space<hbm>> -> memref<16384xf32, #tpu.memory_space<hbm>>
    tpu.enqueue_dma source(%dma_start3A_9 : memref<16384xf32, #tpu.memory_space<hbm>>) target(%arg6 : memref<16384xf32, #tpu.memory_space<vmem>>) target_semaphore(%arg11 : memref<!tpu.dma_semaphore, #tpu.memory_space<semaphore_mem>>)
    %scan3A = arith.constant 0 : i32
    %scan3A_10 = arith.constant 0 : i32
    %scan3A_11 = arith.constant 32 : i32
    %scan3A_12 = arith.addi %scan3A_10, %scan3A_11 : i32
    %scan3A_13 = arith.constant 1 : i32
    scf.for %scan3A_22 = %scan3A_10 to %scan3A_12 step %scan3A_13  : i32 {
      %mul3A_23 = arith.constant 2 : i32
      %mul3A_24 = arith.muli %mul3A_23, %scan3A_22 : i32
      %add3A_25 = arith.constant 0 : i32
      %add3A_26 = arith.addi %mul3A_24, %add3A_25 : i32
      %mul3A_27 = arith.constant 16384 : i32
      %mul3A_28 = arith.muli %add3A_26, %mul3A_27 : i32
      %add3A_29 = arith.addi %mul3A_2, %mul3A_28 : i32
      %dma_wait3A_30 = tpu.memref_slice %arg2[%add3A_29] : memref<33554432xf32, #tpu.memory_space<hbm>> -> memref<16384xf32, #tpu.memory_space<hbm>>
      %dma_wait3A_31 = tpu.memref_slice %arg2[%add3A_29] : memref<33554432xf32, #tpu.memory_space<hbm>> -> memref<16384xf32, #tpu.memory_space<hbm>>
      tpu.wait_dma2 semaphore(%arg10 : memref<!tpu.dma_semaphore, #tpu.memory_space<semaphore_mem>>) src(%dma_wait3A_31 : memref<16384xf32, #tpu.memory_space<hbm>>) dst(%arg5 : memref<16384xf32, #tpu.memory_space<vmem>>)
      %gt3A = arith.constant 0 : i32
      %gt3A_32 = arith.cmpi sgt, %scan3A_22, %gt3A : i32
      %convert_element_type3A = arith.extui %gt3A_32 : i1 to i32
      %cond3A = arith.constant 0 : i32
      %cond3A_33 = arith.cmpi ne, %convert_element_type3A, %cond3A : i32
      scf.if %cond3A_33 {
        %sub3A = arith.constant 2 : i32
        %sub3A_76 = arith.subi %add3A_26, %sub3A : i32
        %mul3A_77 = arith.constant 16384 : i32
        %mul3A_78 = arith.muli %sub3A_76, %mul3A_77 : i32
        %add3A_79 = arith.addi %mul3A_2, %mul3A_78 : i32
        %dma_wait3A_80 = tpu.memref_slice %arg4[%add3A_79] : memref<33554432xi32, #tpu.memory_space<hbm>> -> memref<16384xi32, #tpu.memory_space<hbm>>
        %dma_wait3A_81 = tpu.memref_slice %arg4[%add3A_79] : memref<33554432xi32, #tpu.memory_space<hbm>> -> memref<16384xi32, #tpu.memory_space<hbm>>
        tpu.wait_dma2 semaphore(%arg12 : memref<!tpu.dma_semaphore, #tpu.memory_space<semaphore_mem>>) src(%arg7 : memref<16384xi32, #tpu.memory_space<vmem>>) dst(%dma_wait3A_81 : memref<16384xi32, #tpu.memory_space<hbm>>)
      } else {
      }
      %parallel_loop3A = arith.constant 0 : i32
      %parallel_loop3A_34 = arith.constant 16384 : i32
      %parallel_loop3A_35 = arith.constant 16 : i32
      scf.for %parallel_loop3A_76 = %parallel_loop3A to %parallel_loop3A_34 step %parallel_loop3A_35  : i32 {
        %parallel_loop3A_77 = arith.index_cast %parallel_loop3A_76 : i32 to index
        %parallel_loop3A_78 = tpu.vector_load %arg5[%parallel_loop3A_77] {strides = array<i32>} : memref<16384xf32, #tpu.memory_space<vmem>>, vector<16xf32>,
        %parallel_loop3A_79 = arith.constant 1.000000e+01 : f32
        %parallel_loop3A_80 = vector.broadcast %parallel_loop3A_79 : f32 to vector<16xf32>
        %parallel_loop3A_81 = arith.mulf %parallel_loop3A_78, %parallel_loop3A_80 : vector<16xf32>
        %parallel_loop3A_82 = arith.constant 0x4B00001E : f32
        %parallel_loop3A_83 = vector.broadcast %parallel_loop3A_82 : f32 to vector<16xf32>
        %parallel_loop3A_84 = arith.addf %parallel_loop3A_81, %parallel_loop3A_83 : vector<16xf32>
        %parallel_loop3A_85 = arith.constant 0x4B000000 : f32
        %parallel_loop3A_86 = vector.broadcast %parallel_loop3A_85 : f32 to vector<16xf32>
        %parallel_loop3A_87 = arith.maximumf %parallel_loop3A_84, %parallel_loop3A_86 : vector<16xf32>
        %parallel_loop3A_88 = arith.constant 0x4B00003D : f32
        %parallel_loop3A_89 = vector.broadcast %parallel_loop3A_88 : f32 to vector<16xf32>
        %parallel_loop3A_90 = arith.minimumf %parallel_loop3A_87, %parallel_loop3A_89 : vector<16xf32>
        %parallel_loop3A_91 = tpu.bitcast %parallel_loop3A_90 : vector<16xf32> -> vector<16xi32>
        %parallel_loop3A_92 = arith.constant 1258291200 : i32
        %parallel_loop3A_93 = vector.broadcast %parallel_loop3A_92 : i32 to vector<16xi32>
        %parallel_loop3A_94 = arith.subi %parallel_loop3A_91, %parallel_loop3A_93 : vector<16xi32>
        %parallel_loop3A_95 = tpu.vector_load_idx %arg9[%parallel_loop3A_94] : memref<64xf32, #tpu.memory_space<vmem>>[vector<16xi32>], vector<16xf32>,
        %parallel_loop3A_96 = arith.cmpf oge, %parallel_loop3A_78, %parallel_loop3A_95 : vector<16xf32>
        %parallel_loop3A_97 = arith.extui %parallel_loop3A_96 : vector<16xi1> to vector<16xi32>
        %parallel_loop3A_98 = arith.addi %parallel_loop3A_94, %parallel_loop3A_97 : vector<16xi32>
        %parallel_loop3A_99 = arith.index_cast %parallel_loop3A_76 : i32 to index
        %parallel_loop3A_100 = tpu.vector_load %arg7[%parallel_loop3A_99] {strides = array<i32>} : memref<16384xi32, #tpu.memory_space<vmem>>, vector<16xi32>,
        tpu.vector_store %arg7[%parallel_loop3A_99], %parallel_loop3A_98 {strides = array<i32>} : memref<16384xi32, #tpu.memory_space<vmem>>, vector<16xi32>,
      } {sc.loop_unroll_factor = 8 : i64, sc.parallel_access}
      %mul3A_36 = arith.constant 16384 : i32
      %mul3A_37 = arith.muli %add3A_26, %mul3A_36 : i32
      %add3A_38 = arith.addi %mul3A_2, %mul3A_37 : i32
      %dma_start3A_39 = tpu.memref_slice %arg4[%add3A_38] : memref<33554432xi32, #tpu.memory_space<hbm>> -> memref<16384xi32, #tpu.memory_space<hbm>>
      %dma_start3A_40 = tpu.memref_slice %arg4[%add3A_38] : memref<33554432xi32, #tpu.memory_space<hbm>> -> memref<16384xi32, #tpu.memory_space<hbm>>
      tpu.enqueue_dma source(%arg7 : memref<16384xi32, #tpu.memory_space<vmem>>) target(%dma_start3A_40 : memref<16384xi32, #tpu.memory_space<hbm>>) target_semaphore(%arg12 : memref<!tpu.dma_semaphore, #tpu.memory_space<semaphore_mem>>)
      %add3A_41 = arith.constant 2 : i32
      %add3A_42 = arith.addi %add3A_26, %add3A_41 : i32
      %lt3A = arith.constant 64 : i32
      %lt3A_43 = arith.cmpi slt, %add3A_42, %lt3A : i32
      %convert_element_type3A_44 = arith.extui %lt3A_43 : i1 to i32
      %cond3A_45 = arith.constant 0 : i32
      %cond3A_46 = arith.cmpi ne, %convert_element_type3A_44, %cond3A_45 : i32
      scf.if %cond3A_46 {
        %add3A_76 = arith.constant 2 : i32
        %add3A_77 = arith.addi %add3A_26, %add3A_76 : i32
        %mul3A_78 = arith.constant 16384 : i32
        %mul3A_79 = arith.muli %add3A_77, %mul3A_78 : i32
        %add3A_80 = arith.addi %mul3A_2, %mul3A_79 : i32
        %dma_start3A_81 = tpu.memref_slice %arg2[%add3A_80] : memref<33554432xf32, #tpu.memory_space<hbm>> -> memref<16384xf32, #tpu.memory_space<hbm>>
        %dma_start3A_82 = tpu.memref_slice %arg2[%add3A_80] : memref<33554432xf32, #tpu.memory_space<hbm>> -> memref<16384xf32, #tpu.memory_space<hbm>>
        tpu.enqueue_dma source(%dma_start3A_82 : memref<16384xf32, #tpu.memory_space<hbm>>) target(%arg5 : memref<16384xf32, #tpu.memory_space<vmem>>) target_semaphore(%arg10 : memref<!tpu.dma_semaphore, #tpu.memory_space<semaphore_mem>>)
      } else {
      }
      %mul3A_47 = arith.constant 2 : i32
      %mul3A_48 = arith.muli %mul3A_47, %scan3A_22 : i32
      %add3A_49 = arith.constant 1 : i32
      %add3A_50 = arith.addi %mul3A_48, %add3A_49 : i32
      %mul3A_51 = arith.constant 16384 : i32
      %mul3A_52 = arith.muli %add3A_50, %mul3A_51 : i32
      %add3A_53 = arith.addi %mul3A_2, %mul3A_52 : i32
      %dma_wait3A_54 = tpu.memref_slice %arg2[%add3A_53] : memref<33554432xf32, #tpu.memory_space<hbm>> -> memref<16384xf32, #tpu.memory_space<hbm>>
      %dma_wait3A_55 = tpu.memref_slice %arg2[%add3A_53] : memref<33554432xf32, #tpu.memory_space<hbm>> -> memref<16384xf32, #tpu.memory_space<hbm>>
      tpu.wait_dma2 semaphore(%arg11 : memref<!tpu.dma_semaphore, #tpu.memory_space<semaphore_mem>>) src(%dma_wait3A_55 : memref<16384xf32, #tpu.memory_space<hbm>>) dst(%arg6 : memref<16384xf32, #tpu.memory_space<vmem>>)
      %gt3A_56 = arith.constant 0 : i32
      %gt3A_57 = arith.cmpi sgt, %scan3A_22, %gt3A_56 : i32
      %convert_element_type3A_58 = arith.extui %gt3A_57 : i1 to i32
      %cond3A_59 = arith.constant 0 : i32
      %cond3A_60 = arith.cmpi ne, %convert_element_type3A_58, %cond3A_59 : i32
      scf.if %cond3A_60 {
        %sub3A = arith.constant 2 : i32
        %sub3A_76 = arith.subi %add3A_50, %sub3A : i32
        %mul3A_77 = arith.constant 16384 : i32
        %mul3A_78 = arith.muli %sub3A_76, %mul3A_77 : i32
        %add3A_79 = arith.addi %mul3A_2, %mul3A_78 : i32
        %dma_wait3A_80 = tpu.memref_slice %arg4[%add3A_79] : memref<33554432xi32, #tpu.memory_space<hbm>> -> memref<16384xi32, #tpu.memory_space<hbm>>
        %dma_wait3A_81 = tpu.memref_slice %arg4[%add3A_79] : memref<33554432xi32, #tpu.memory_space<hbm>> -> memref<16384xi32, #tpu.memory_space<hbm>>
        tpu.wait_dma2 semaphore(%arg13 : memref<!tpu.dma_semaphore, #tpu.memory_space<semaphore_mem>>) src(%arg8 : memref<16384xi32, #tpu.memory_space<vmem>>) dst(%dma_wait3A_81 : memref<16384xi32, #tpu.memory_space<hbm>>)
      } else {
      }
      %parallel_loop3A_61 = arith.constant 0 : i32
      %parallel_loop3A_62 = arith.constant 16384 : i32
      %parallel_loop3A_63 = arith.constant 16 : i32
      scf.for %parallel_loop3A_76 = %parallel_loop3A_61 to %parallel_loop3A_62 step %parallel_loop3A_63  : i32 {
        %parallel_loop3A_77 = arith.index_cast %parallel_loop3A_76 : i32 to index
        %parallel_loop3A_78 = tpu.vector_load %arg6[%parallel_loop3A_77] {strides = array<i32>} : memref<16384xf32, #tpu.memory_space<vmem>>, vector<16xf32>,
        %parallel_loop3A_79 = arith.constant 1.000000e+01 : f32
        %parallel_loop3A_80 = vector.broadcast %parallel_loop3A_79 : f32 to vector<16xf32>
        %parallel_loop3A_81 = arith.mulf %parallel_loop3A_78, %parallel_loop3A_80 : vector<16xf32>
        %parallel_loop3A_82 = arith.constant 0x4B00001E : f32
        %parallel_loop3A_83 = vector.broadcast %parallel_loop3A_82 : f32 to vector<16xf32>
        %parallel_loop3A_84 = arith.addf %parallel_loop3A_81, %parallel_loop3A_83 : vector<16xf32>
        %parallel_loop3A_85 = arith.constant 0x4B000000 : f32
        %parallel_loop3A_86 = vector.broadcast %parallel_loop3A_85 : f32 to vector<16xf32>
        %parallel_loop3A_87 = arith.maximumf %parallel_loop3A_84, %parallel_loop3A_86 : vector<16xf32>
        %parallel_loop3A_88 = arith.constant 0x4B00003D : f32
        %parallel_loop3A_89 = vector.broadcast %parallel_loop3A_88 : f32 to vector<16xf32>
        %parallel_loop3A_90 = arith.minimumf %parallel_loop3A_87, %parallel_loop3A_89 : vector<16xf32>
        %parallel_loop3A_91 = tpu.bitcast %parallel_loop3A_90 : vector<16xf32> -> vector<16xi32>
        %parallel_loop3A_92 = arith.constant 1258291200 : i32
        %parallel_loop3A_93 = vector.broadcast %parallel_loop3A_92 : i32 to vector<16xi32>
        %parallel_loop3A_94 = arith.subi %parallel_loop3A_91, %parallel_loop3A_93 : vector<16xi32>
        %parallel_loop3A_95 = tpu.vector_load_idx %arg9[%parallel_loop3A_94] : memref<64xf32, #tpu.memory_space<vmem>>[vector<16xi32>], vector<16xf32>,
        %parallel_loop3A_96 = arith.cmpf oge, %parallel_loop3A_78, %parallel_loop3A_95 : vector<16xf32>
        %parallel_loop3A_97 = arith.extui %parallel_loop3A_96 : vector<16xi1> to vector<16xi32>
        %parallel_loop3A_98 = arith.addi %parallel_loop3A_94, %parallel_loop3A_97 : vector<16xi32>
        %parallel_loop3A_99 = arith.index_cast %parallel_loop3A_76 : i32 to index
        %parallel_loop3A_100 = tpu.vector_load %arg8[%parallel_loop3A_99] {strides = array<i32>} : memref<16384xi32, #tpu.memory_space<vmem>>, vector<16xi32>,
        tpu.vector_store %arg8[%parallel_loop3A_99], %parallel_loop3A_98 {strides = array<i32>} : memref<16384xi32, #tpu.memory_space<vmem>>, vector<16xi32>,
      } {sc.loop_unroll_factor = 8 : i64, sc.parallel_access}
      %mul3A_64 = arith.constant 16384 : i32
      %mul3A_65 = arith.muli %add3A_50, %mul3A_64 : i32
      %add3A_66 = arith.addi %mul3A_2, %mul3A_65 : i32
      %dma_start3A_67 = tpu.memref_slice %arg4[%add3A_66] : memref<33554432xi32, #tpu.memory_space<hbm>> -> memref<16384xi32, #tpu.memory_space<hbm>>
      %dma_start3A_68 = tpu.memref_slice %arg4[%add3A_66] : memref<33554432xi32, #tpu.memory_space<hbm>> -> memref<16384xi32, #tpu.memory_space<hbm>>
      tpu.enqueue_dma source(%arg8 : memref<16384xi32, #tpu.memory_space<vmem>>) target(%dma_start3A_68 : memref<16384xi32, #tpu.memory_space<hbm>>) target_semaphore(%arg13 : memref<!tpu.dma_semaphore, #tpu.memory_space<semaphore_mem>>)
      %add3A_69 = arith.constant 2 : i32
      %add3A_70 = arith.addi %add3A_50, %add3A_69 : i32
      %lt3A_71 = arith.constant 64 : i32
      %lt3A_72 = arith.cmpi slt, %add3A_70, %lt3A_71 : i32
      %convert_element_type3A_73 = arith.extui %lt3A_72 : i1 to i32
      %cond3A_74 = arith.constant 0 : i32
      %cond3A_75 = arith.cmpi ne, %convert_element_type3A_73, %cond3A_74 : i32
      scf.if %cond3A_75 {
        %add3A_76 = arith.constant 2 : i32
        %add3A_77 = arith.addi %add3A_50, %add3A_76 : i32
        %mul3A_78 = arith.constant 16384 : i32
        %mul3A_79 = arith.muli %add3A_77, %mul3A_78 : i32
        %add3A_80 = arith.addi %mul3A_2, %mul3A_79 : i32
        %dma_start3A_81 = tpu.memref_slice %arg2[%add3A_80] : memref<33554432xf32, #tpu.memory_space<hbm>> -> memref<16384xf32, #tpu.memory_space<hbm>>
        %dma_start3A_82 = tpu.memref_slice %arg2[%add3A_80] : memref<33554432xf32, #tpu.memory_space<hbm>> -> memref<16384xf32, #tpu.memory_space<hbm>>
        tpu.enqueue_dma source(%dma_start3A_82 : memref<16384xf32, #tpu.memory_space<hbm>>) target(%arg6 : memref<16384xf32, #tpu.memory_space<vmem>>) target_semaphore(%arg11 : memref<!tpu.dma_semaphore, #tpu.memory_space<semaphore_mem>>)
      } else {
      }
    }
    %scan3A_14 = arith.constant 32 : i32
    %add3A_15 = arith.constant 1015808 : i32
    %add3A_16 = arith.addi %mul3A_2, %add3A_15 : i32
    %dma_wait3A = tpu.memref_slice %arg4[%add3A_16] : memref<33554432xi32, #tpu.memory_space<hbm>> -> memref<16384xi32, #tpu.memory_space<hbm>>
    %dma_wait3A_17 = tpu.memref_slice %arg4[%add3A_16] : memref<33554432xi32, #tpu.memory_space<hbm>> -> memref<16384xi32, #tpu.memory_space<hbm>>
    tpu.wait_dma2 semaphore(%arg12 : memref<!tpu.dma_semaphore, #tpu.memory_space<semaphore_mem>>) src(%arg7 : memref<16384xi32, #tpu.memory_space<vmem>>) dst(%dma_wait3A_17 : memref<16384xi32, #tpu.memory_space<hbm>>)
    %add3A_18 = arith.constant 1032192 : i32
    %add3A_19 = arith.addi %mul3A_2, %add3A_18 : i32
    %dma_wait3A_20 = tpu.memref_slice %arg4[%add3A_19] : memref<33554432xi32, #tpu.memory_space<hbm>> -> memref<16384xi32, #tpu.memory_space<hbm>>
    %dma_wait3A_21 = tpu.memref_slice %arg4[%add3A_19] : memref<33554432xi32, #tpu.memory_space<hbm>> -> memref<16384xi32, #tpu.memory_space<hbm>>
    tpu.wait_dma2 semaphore(%arg13 : memref<!tpu.dma_semaphore, #tpu.memory_space<semaphore_mem>>) src(%arg8 : memref<16384xi32, #tpu.memory_space<vmem>>) dst(%dma_wait3A_21 : memref<16384xi32, #tpu.memory_space<hbm>>)
    return
  }
}

</mosaic_0001>

<sc_bundles>
// kernel: kernel.3.cloned.1.call-start
scs
__scs_entry_jumppad:
0x0: {  	(pc) =	sbr.rel $0x88, $3  }
0x1: {  	(tag) =	ssettag $0x0;
	lr =	simm.s32 $0x1  }
0x2: {  	[smem:$0x3FA0] =	sst lr;
	_ =	strace $0xD0000000  }
0x3: {  	_ = 	snop  }
0x4: {  	_ = 	snop  }
0x5: {  	_ = 	snop  }
0x6: {  	_ = 	snop  }
0x7: {  	_ = 	snop  }
__scs_overlays_trampoline_lowered:
0x8: {  	[smem:$0x3FAF] =	sst s0  }
0x9: {  	[smem:$0x3FB0] =	sst s1  }
0xa: {  	[smem:$0x3FB1] =	sst s2  }
0xb: {  	[smem:$0x3FB2] =	sst s3  }
0xc: {  	[smem:$0x3FB3] =	sst s4  }
0xd: {  	[smem:$0x3FB4] =	sst s5  }
0xe: {  	[smem:$0x3FB5] =	sst s6  }
0xf: {  	[smem:$0x3FB6] =	sst s7  }
0x10: {  	[smem:$0x3FB7] =	sst s8  }
0x11: {  	[smem:$0x3FB8] =	sst s9;
	s0 =	simm.s32 @!p0 $0x0  }
0x12: {  	s1 =	sld [smem:$0x3F9E];
	s0 =	simm.s32 @p0 $0x1  }
0x13: {  	[smem:$0x3FB9] =	sst s0;
	s0 =	simm.s32 @!p1 $0x0  }
0x14: {  	s2 =	sld [smem:$0x3F9D];
	s0 =	simm.s32 @p1 $0x1  }
0x15: {  	[smem:$0x3FBA] =	sst s0;
	s0 =	simm.s32 @!p2 $0x0  }
0x16: {  	s3 =	sld [smem:$0x3FDB];
	s0 =	simm.s32 @p2 $0x1  }
0x17: {  	s4 =	simm.s32 $0x1BF5;
	[smem:$0x3FBC] =	sst s0  }
0x18: {  	s0 =	sld [smem:$0x3F9F];
	_ =	swait.ge [sflag:s4], $0x0  }
0x19: {  	s7 =	sld [smem:$0x3FA0]  }
0x1a: {  	s8 =	sadd.s32 $0xFFFFE003, lr  }
0x1b: {  	s9 =	sadd.s32 $0xFFFFFEF7, lr;
	s5 =	simm.s32 $0xFFFFFFFF;
	p2 =	slt.u32 s8, $0xFFFFF086  }
0x1c: {  	p1 =	slt.u32 s9, $0xF7A;
	s5 =	simm.s32 @!p2 $0x0  }
0x1d: {  	s5 =	simm.s32 @p1 $0x1;
	p0 =	seq.s32 s7, s2  }
0x1e: {  	s7 =	smul.u32 @!p0 $0xF7A, s2;
	p2 =	seq.s32 @!p0 s5, $0x0  }
0x1f: {  	s9 =	smul.u32 $0xF7A, s1;
	s8 =	simm.s32 @!p0 $0x1BF5;
	p2 =	por !p2, p0  }
0x20: {  	[sflag:s8] =	ssyncset.s32 @!p0 $0xFFFFF086;
	s6 =	sadd.s32 @!p0 s3, s7;
	s7 =	simm.s32 @!p0 $0x108  }
0x21: {  	s3 =	sadd.s32 s3, s9;
	s6 =	sadd.s32 @!p0 $0x88, s6;
	s7 =	simm.s32 @p2 $0x1082  }
0x22: {  	[simem:s7], [sflag:s8] =	dma.local @!p0 [hbm:s6], $0xF7A  }
0x23: {  	s9 =	sor.u32 $0xD0000000, s2;
	s6 =	simm.s32 $0x108;
	_ =	swait.ge @!p0 [sflag:s8], $0x0  }
0x24: {  	s3 =	sadd.s32 $0x88, s3;
	s6 =	simm.s32 @!p1 $0x1082;
	[sflag:s4] =	ssyncset.s32 $0xFFFFF086  }
0x25: {  	[simem:s6], [sflag:s4] =	dma.local [hbm:s3], $0xF7A  }
0x26: {  	[smem:$0x3FA0] =	sst s1;
	(tag) =	ssettag s2;
	_ =	strace s9  }
0x27: {  	s1 =	sld [smem:$0x3FB0]  }
0x28: {  	s2 =	sld [smem:$0x3FB1]  }
0x29: {  	s4 =	sld [smem:$0x3FB3]  }
0x2a: {  	p0 =	seq.s32 s5, $0x0;
	s5 =	sld [smem:$0x3FB4]  }
0x2b: {  	s6 =	sld [smem:$0x3FB5]  }
0x2c: {  	s7 =	sld [smem:$0x3FB6]  }
0x2d: {  	s3 =	simm.s32 $0x108;
	s8 =	sld [smem:$0x3FB7]  }
0x2e: {  	s3 =	simm.s32 @!p0 $0x1082;
	s9 =	sld [smem:$0x3FB8]  }
0x2f: {  	lr =	sadd.s32 s0, s3;
	s0 =	sld [smem:$0x3FAF]  }
0x30: {  	s3 =	sld [smem:$0x3FB2]  }
0x31: {  	[smem:$0x3FBB] =	sst s10  }
0x32: {  	s10 =	sld [smem:$0x3FB9];
	_ =	sdelay $0x3  }
0x33: {  	p0 =	seq.s32 s10, $0x1;
	s10 =	sld [smem:$0x3FBB];
	_ =	sdelay $0x3  }
0x34: {  	[smem:$0x3FBB] =	sst s10  }
0x35: {  	s10 =	sld [smem:$0x3FBA];
	_ =	sdelay $0x3  }
0x36: {  	p1 =	seq.s32 s10, $0x1;
	s10 =	sld [smem:$0x3FBB];
	_ =	sdelay $0x3  }
0x37: {  	[smem:$0x3FBB] =	sst s10  }
0x38: {  	s10 =	sld [smem:$0x3FBC]  }
0x39: {  	_ = 	snop;
	(pc) =	sbr.ind lr, $3  }
0x3a: {  	_ = 	snop  }
0x3b: {  	_ = 	snop  }
0x3c: {  	p2 =	seq.s32 s10, $0x1;
	s10 =	sld [smem:$0x3FBB]  }
0x3d: {  	_ =	shalt  }
0x3e: {  	_ =	shalt  }
0x3f: {  	_ =	shalt  }
0x40: {  	_ =	shalt  }
0x41: {  	_ =	shalt  }
0x42: {  	_ =	shalt  }
0x43: {  	_ =	shalt  }
0x44: {  	_ =	shalt  }
0x45: {  	_ =	shalt  }
0x46: {  	_ =	shalt  }
0x47: {  	_ =	shalt  }
0x48: {  	_ =	shalt  }
0x49: {  	_ =	shalt  }
0x4a: {  	_ =	shalt  }
0x4b: {  	_ =	shalt  }
0x4c: {  	_ =	shalt  }
0x4d: {  	_ =	shalt  }
0x4e: {  	_ =	shalt  }
0x4f: {  	_ =	shalt  }
0x50: {  	_ =	shalt  }
0x51: {  	_ =	shalt  }
0x52: {  	_ =	shalt  }
0x53: {  	_ =	shalt  }
0x54: {  	_ =	shalt  }
0x55: {  	_ =	shalt  }
0x56: {  	_ =	shalt  }
0x57: {  	_ =	shalt  }
0x58: {  	_ =	shalt  }
0x59: {  	_ =	shalt  }
0x5a: {  	_ =	shalt  }
0x5b: {  	_ =	shalt  }
0x5c: {  	_ =	shalt  }
0x5d: {  	_ =	shalt  }
0x5e: {  	_ =	shalt  }
0x5f: {  	_ =	shalt  }
0x60: {  	_ =	shalt  }
0x61: {  	_ =	shalt  }
0x62: {  	_ =	shalt  }
0x63: {  	_ =	shalt  }
0x64: {  	_ =	shalt  }
0x65: {  	_ =	shalt  }
0x66: {  	_ =	shalt  }
0x67: {  	_ =	shalt  }
0x68: {  	_ =	shalt  }
0x69: {  	_ =	shalt  }
0x6a: {  	_ =	shalt  }
0x6b: {  	_ =	shalt  }
0x6c: {  	_ =	shalt  }
0x6d: {  	_ =	shalt  }
0x6e: {  	_ =	shalt  }
0x6f: {  	_ =	shalt  }
0x70: {  	_ =	shalt  }
0x71: {  	_ =	shalt  }
0x72: {  	_ =	shalt  }
0x73: {  	_ =	shalt  }
0x74: {  	_ =	shalt  }
0x75: {  	_ =	shalt  }
0x76: {  	_ =	shalt  }
0x77: {  	_ =	shalt  }
0x78: {  	_ =	shalt  }
0x79: {  	_ =	shalt  }
0x7a: {  	_ =	shalt  }
0x7b: {  	_ =	shalt  }
0x7c: {  	_ =	shalt  }
0x7d: {  	_ =	shalt  }
0x7e: {  	_ =	shalt  }
0x7f: {  	_ =	shalt  }
0x80: {  	_ =	shalt  }
0x81: {  	_ =	shalt  }
0x82: {  	_ =	shalt  }
0x83: {  	_ =	shalt  }
0x84: {  	_ =	shalt  }
0x85: {  	_ =	shalt  }
0x86: {  	_ =	shalt  }
0x87: {  	_ =	shalt  }
.Lfunc_end0:
.L_simem_size_0:
called_computation_lowered:
.L_overlay_start_0:
0x88: {  	s2 =	sld [smem:$0x3FD9]  }
0x89: {  	s3 =	sld [smem:$0x3FFE];
	_ =	sdelay $0x1  }
0x8a: {  	s1 =	srdreg.scid  }
0x8b: {  	s0 =	sand.u32 $0x1, s1  }
0x8c: {  	s17 =	sshll.u32 s0, $0xA;
	s2 =	sadd.s32 s3, s2  }
0x8d: {  	s2 =	sadd.s32 s2, s17  }
0x8e: {  	[smem:$0x3FC7] =	sst s2  }
0x8f: {  	_ = 	snop  }
0x90: {  	s2 =	sld [smem:$0x3FC9]  }
0x91: {  	s18 =	sld [smem:$0x3FD0];
	(tm) =	ssettm $0x1  }
0x92: {  	s4 =	sld [smem:$0x3FFB];
	_ =	sdelay $0x3  }
0x93: {  	_ =	strace s4  }
0x94: {  	s4 =	sld [smem:$0x3FFC];
	_ =	sdelay $0x3  }
0x95: {  	_ =	strace s4  }
0x96: {  	s4 =	sld [smem:$0x3FFD];
	_ =	sdelay $0x3  }
0x97: {  	_ =	strace s4  }
0x98: {  	_ =	strace $0x8FFFFFFF  }
0x99: {  	s19 =	sld [smem:$0x3FDB];
	_ =	sdelay $0x1  }
0x9a: {  	s5 =	simm.s32 $_scs_section_size  }
0x9b: {  	s6 =	simm.s32 $_size__tile_overlayer_lowered;
	s7 =	simm.s32 $_tile_overlayer_lowered  }
0x9c: {  	s22 =	simm.s32 $0x1BFF;
	s21 =	sshll.u32 s7, $0x1;
	s4 =	sadd.s32 s5, s19  }
0x9d: {  	s8 =	simm.s32 $0x0;
	s20 =	sshll.u32 s6, $0x1;
	s6 =	sadd.s32 s21, s4  }
0x9e: {  	[timem:s8], [sflag:s22] =	dma.local [hbm:s6], s20  }
0x9f: {  	_ =	swait.ge [sflag:s22], s20  }
0xa0: {  	s5 =	ssub.s32 $0x0, s20;
	[sflag:s22] =	ssyncset.done $0x0  }
0xa1: {  	[sflag:s22] =	ssyncadd.s32 s5;
	_ =	sdelay $0x1  }
0xa2: {  	s23 =	simm.s32 $0x1B8B  }
0xa3: {  	_ =	swait.ge [sflag:s23], $0x1  }
0xa4: {  	[sflag:s23] =	ssyncset.done $0x0  }
0xa5: {  	s25 =	simm.s32 $0x1B8E;
	s24 =	sld [smem:$0x3FFE];
	[sflag:s23] =	ssyncadd.s32 $0xFFFFFFFF  }
0xa6: {  	s26 =	simm.s32 $execute0_lowered;
	[smem:$0x3FD2] =	sst s25  }
0xa7: {  	s6 =	sshll.u32 s26, $0x1;
	_ =	strace $0x80000046;
	[dreg:$0x1] =	wrdreg $0xFFFFFFFF  }
0xa8: {  	s28 =	simm.s32 $_size_execute0_lowered;
	s4 =	sadd.s32 s4, s6;
	[dreg:$0x0] =	wrdreg $0x0  }
0xa9: {  	s6 =	sshll.u32 s28, $0x1;
	[dreg:$0x2] =	wrdreg s4  }
0xaa: {  	[dreg:$0x3] =	wrdreg s6  }
0xab: {  	[dreg:$0x4] =	wrdreg $0xC0  }
0xac: {  	_ =	task [dreg:s8], $0x5FFFF  }
0xad: {  	[dreg:$0x1] =	wrdreg $0xFFFFFFFF  }
0xae: {  	[dreg:$0x0] =	wrdreg $0x60  }
0xaf: {  	[dreg:$0x2] =	wrdreg s2  }
0xb0: {  	[dreg:$0x3] =	wrdreg s24  }
0xb1: {  	[dreg:$0x4] =	wrdreg s18  }
0xb2: {  	[dreg:$0x5] =	wrdreg $0x9  }
0xb3: {  	_ =	task.clear_ibuf [dreg:s8], $0x6FFFF;
	_ =	strace $0x90000046  }
0xb4: {  	s29 =	simm.s32 $0x9;
	_ =	strace $0x80000048  }
0xb5: {  	_ =	swait.ge [sflag:s29], $0x1  }
0xb6: {  	[sflag:s29] =	ssyncadd.s32 $0xFFFFFFFF  }
0xb7: {  	_ =	strace $0x90000048  }
0xb8: {  	_ =	sfence  }
0xb9: {  	s30 =	sld [smem:$0x0];
	_ =	sdelay $0x2  }
0xba: {  	s31 =	sshll.u32 s1, $0xD;
	s1 =	sshrl.u32 s1, $0x2  }
0xbb: {  	s3 =	sand.u32 $0x4000, s31;
	s1 =	sadd.s32 s1, s30  }
0xbc: {  	s0 =	sor.u32 s3, s0;
	s1 =	sshll.u32 s1, $0x11  }
0xbd: {  	s0 =	sor.u32 s1, s0  }
0xbe: {  	s0 =	sadd.s32 $0x8F2B, s0  }
0xbf: {  	[sflag:s0] =	ssyncadd.remote.s32 $0x1  }
0xc0: {  	_ =	sfence.sel $0xFFFF  }
0xc1: {  	[dreg:$0x0] =	wrdreg $0xFFFFFFFF;
	(pc) =	sbr.abs _section_cstart, $3  }
0xc2: {  	[dreg:$0x1] =	wrdreg $0xFFFFFFFF  }
0xc3: {  	_ =	task.clear_ibuf [dreg:s8], $0x2FFFF;
	_ =	strace $0x9FFFFFFF  }
0xc4: {  	(tm) =	ssettm $0x7FFFFFFF  }
0xc5: {  	_ =	shalt  }
tec
execute0_lowered:
.L_overlay_start_1:
0x0: {  	(tag) =	ssettag $0x1  }
0x1: {  	s1 =	rddreg [dreg:$0x0]  }
0x2: {  	s6 =	rddreg [dreg:$0x1]  }
0x3: {  	s3 =	rddreg [dreg:$0x2];
	s4 =	srdreg.scid  }
0x4: {  	s0 =	rddreg [dreg:$0x3];
	s2 =	stileid.u32;
	s12 =	simm.s32 $0x10000  }
0x5: {  	s13 =	simm.s32 $0x5;
	s14 =	simm.s32 $0x4000;
	s15 =	simm.s32 $0x1  }
0x6: {  	s16 =	simm.s32 $0x8000;
	s17 =	simm.s32 $0x2;
	s18 =	simm.s32 $0x4  }
0x7: {  	s19 =	simm.s32 $0xC000;
	s20 =	simm.s32 $0x3;
	s21 =	simm.s32 $0x0  }
0x8: {  	s7 =	sand.u32 $0x1, s4;
	s4 =	simm.s32 $0x0;
	s5 =	sshll.u32 s2, $0x15  }
.Ltmp0:
0x9: {  	s6 =	sadd.s32 $0x400, s6;
	s8 =	sshll.u32 s7, $0x14;
	(pc) =	sbr.rel .LBB2_1-.Ltmp0, $4  }
0xa: {  	[smem:$0x7FF] =	sst s4;
	s30 =	ssub.s32 $0x2, s7;
	s5 =	sor.u32 s8, s5  }
0xb: {  	_ =	strace $0x80000047;
	s9 =	sshrl.u32 s30, $0x1;
	s31 =	sshrl.u32 s5, $0x3  }
0xc: {  	s11 =	ssub.s32 s30, s9;
	s9 =	sor.u32 $0x8000, s5;
	s7 =	sadd.s32 s1, s31  }
0xd: {  	v0 =	vimm.s32 $0x0;
	s10 =	sor.u32 $0xC000, s5;
	s11 =	smax.u32 s11, $0x1;
	s8 =	sadd.s32 $0x800, s7  }
.LBB2_12:
0xe: {  	s21 =	sadd.s32 $0x1, s21  }
0xf: {  	_ =	swait.ge [sflag:s20], $0x4000;
	p0 =	sne.s32 s21, s11  }
.Ltmp1:
0x10: {  	[sflag:s20] =	ssyncset.done $0x0;
	(pc) =	sbr.rel @!p0 .LBB2_13-.Ltmp1, $4  }
0x11: {  	[sflag:s20] =	ssyncadd.s32 $0xFFFFC000  }
0x12: {  	_ =	swait.ge [sflag:s18], $0x4000  }
0x13: {  	[sflag:s18] =	ssyncset.done $0x0  }
0x14: {  	[sflag:s18] =	ssyncadd.s32 $0xFFFFC000  }
.LBB2_1:
0x15: {  	[tilespmem:s12], [sflag:$0x5] =	stream.linear.gather [hbm4b:s6+s4], $0x80, $0x38;
	[tilespmem:$0x10080] =	vst v63  }
0x16: {  	_ =	swait.ge [sflag:s13], $0x80  }
0x17: {  	[sflag:s13] =	ssyncset.done $0x0  }
0x18: {  	[sflag:s13] =	ssyncadd.s32 $0xFFFFFF80  }
0x19: {  	[tilespmem:s4], [sflag:$0x1] =	stream.linear.gather [hbm4b:s7+s4], $0x4000, $0x38;
	[tilespmem:$0x10080] =	vst v63  }
0x1a: {  	s22 =	simm.s32 $0x0  }
0x1b: {  	[tilespmem:s14], [sflag:$0x2] =	stream.linear.gather [hbm4b:s8+s4], $0x4000, $0x38;
	[tilespmem:$0x10080] =	vst v63  }
.LBB2_2:
0x1c: {  	_ =	swait.ge [sflag:s15], $0x4000  }
0x1d: {  	p0 =	seq.s32 s22, $0x0;
	[sflag:s15] =	ssyncset.done $0x0  }
0x1e: {  	s23 =	simm.s32 @!p0 $0x3;
	[sflag:s15] =	ssyncadd.s32 $0xFFFFC000  }
0x1f: {  	_ =	swait.ge @!p0 [sflag:s23], $0x4000  }
0x20: {  	[sflag:s23] =	ssyncset.done @!p0 $0x0  }
0x21: {  	s30 =	simm.s32 $0x40;
	[sflag:s23] =	ssyncadd.s32 @!p0 $0xFFFFC000  }
0x22: {  	v8 =	vld [tilespmem:s30+$0x30]  }
0x23: {  	v29 =	vld [tilespmem:s30+$0xFFFFFFE0]  }
0x24: {  	v30 =	vld [tilespmem:s30+$0xFFFFFFF0]  }
0x25: {  	v1 =	vld [tilespmem:s30+$0x10]  }
0x26: {  	v32 =	vld [tilespmem:s30+$0xFFFFFFC0]  }
0x27: {  	v28 =	vld [tilespmem:s30+$0xFFFFFFD0];
	_ =	sdelay $0x1  }
0x28: {  	v2 =	vmul.f32 $1.000000000e+01, v8;
	v5 =	vmul.f32 $1.000000000e+01, v29  }
0x29: {  	v6 =	vmul.f32 $1.000000000e+01, v30;
	v7 =	vmul.f32 $1.000000000e+01, v1  }
0x2a: {  	v31 =	vld [tilespmem:s30+$0x0];
	v10 =	vmul.f32 $1.000000000e+01, v32;
	v3 =	vadd.f32 $8.388638000e+06, v2;
	v5 =	vadd.f32 $8.388638000e+06, v5  }
0x2b: {  	v4 =	vmul.f32 $1.000000000e+01, v28;
	v2 =	vld [tilespmem:s30+$0x20];
	v6 =	vadd.f32 $8.388638000e+06, v6;
	v7 =	vadd.f32 $8.388638000e+06, v7  }
0x2c: {  	v10 =	vadd.f32 $8.388638000e+06, v10;
	v3 =	vmax.f32 v3, $8.388608000e+06;
	v5 =	vmax.f32 v5, $8.388608000e+06  }
0x2d: {  	v6 =	vmax.f32 v6, $8.388608000e+06;
	v7 =	vmax.f32 v7, $8.388608000e+06;
	v3 =	vmin.f32 v3, $8.388669000e+06  }
0x2e: {  	s31 =	simm.s32 $0xC0;
	v10 =	vmax.f32 v10, $8.388608000e+06;
	v5 =	vmin.f32 v5, $8.388669000e+06;
	v18 =	vadd.s32 $0xB5000000, v3  }
0x2f: {  	v11 =	vld [tilespmem:s31+$0x30];
	v14 =	vmin.f32 v6, $8.388669000e+06;
	v3 =	vadd.f32 $8.388638000e+06, v4;
	v4 =	vmul.f32 $1.000000000e+01, v31  }
0x30: {  	v7 =	vmin.f32 v7, $8.388669000e+06;
	v17 =	vadd.s32 $0xB5000000, v5;
	v5 =	vld [tilespmem:s31+$0x0];
	v9 =	vmul.f32 $1.000000000e+01, v2  }
0x31: {  	v6 =	vmin.f32 v10, $8.388669000e+06;
	v10 =	vadd.s32 $0xB5000000, v7;
	v7 =	vld [tilespmem:s31+$0x10];
	v4 =	vadd.f32 $8.388638000e+06, v4  }
0x32: {  	v13 =	vadd.s32 $0xB5000000, v6;
	v3 =	vmax.f32 v3, $8.388608000e+06;
	v9 =	vadd.f32 $8.388638000e+06, v9  }
0x33: {  	v15 =	vadd.s32 $0xB5000000, v14;
	v12 =	vmin.f32 v3, $8.388669000e+06;
	v4 =	vmax.f32 v4, $8.388608000e+06;
	v19 =	vld.idx.msk [tilespmem:v18+s12+$0x0], $0xffff  }
0x34: {  	v6 =	vld [tilespmem:s31+$0xFFFFFFF0];
	v16 =	vadd.s32 $0xB5000000, v12;
	v9 =	vmax.f32 v9, $8.388608000e+06;
	v20 =	vmin.f32 v4, $8.388669000e+06  }
0x35: {  	v3 =	vld [tilespmem:s31+$0xFFFFFFD0];
	v23 =	vmul.f32 $1.000000000e+01, v5;
	v14 =	vadd.s32 $0xB5000000, v20;
	v20 =	vmul.f32 $1.000000000e+01, v11  }
0x36: {  	v4 =	vld [tilespmem:s31+$0xFFFFFFE0];
	v24 =	vmul.f32 $1.000000000e+01, v7;
	v9 =	vmin.f32 v9, $8.388669000e+06  }
0x37: {  	v12 =	vadd.s32 $0xB5000000, v9;
	v9 =	vld [tilespmem:s31+$0xFFFFFFC0];
	v23 =	vadd.f32 $8.388638000e+06, v23;
	v20 =	vadd.f32 $8.388638000e+06, v20  }
0x38: {  	vm0 =	vge.f32 v8, v19;
	v8 =	vld [tilespmem:s31+$0x20]  }
0x39: {  	v24 =	vadd.f32 $8.388638000e+06, v24;
	v23 =	vmax.f32 v23, $8.388608000e+06;
	v20 =	vmax.f32 v20, $8.388608000e+06  }
0x3a: {  	v34 =	vld.idx.msk [tilespmem:v16+s12+$0x0], $0xffff;
	v19 =	vmul.f32 $1.000000000e+01, v3;
	v21 =	vsel vm0, $0x1, v0;
	v20 =	vmin.f32 v20, $8.388669000e+06  }
0x3b: {  	v22 =	vmul.f32 $1.000000000e+01, v4;
	v21 =	vadd.s32 v21, v18;
	v25 =	vadd.s32 $0xB5000000, v20  }
0x3c: {  	v33 =	vld.idx.msk [tilespmem:v13+s12+$0x0], $0xffff;
	v18 =	vadd.f32 $8.388638000e+06, v19;
	v19 =	vmul.f32 $1.000000000e+01, v6;
	v20 =	vmul.f32 $1.000000000e+01, v9  }
0x3d: {  	v35 =	vld.idx.msk [tilespmem:v17+s12+$0x0], $0xffff;
	v24 =	vmax.f32 v24, $8.388608000e+06;
	v22 =	vadd.f32 $8.388638000e+06, v22;
	v26 =	vmul.f32 $1.000000000e+01, v8  }
0x3e: {  	v36 =	vld.idx.msk [tilespmem:v15+s12+$0x0], $0xffff;
	v23 =	vmin.f32 v23, $8.388669000e+06;
	v19 =	vadd.f32 $8.388638000e+06, v19;
	v20 =	vadd.f32 $8.388638000e+06, v20  }
0x3f: {  	v37 =	vld.idx.msk [tilespmem:v14+s12+$0x0], $0xffff;
	v22 =	vmax.f32 v22, $8.388608000e+06;
	vm3 =	vge.f32 v28, v34;
	v26 =	vadd.f32 $8.388638000e+06, v26  }
0x40: {  	v27 =	vmin.f32 v22, $8.388669000e+06;
	v19 =	vmax.f32 v19, $8.388608000e+06;
	v20 =	vmax.f32 v20, $8.388608000e+06;
	v28 =	vld.idx.msk [tilespmem:v25+s12+$0x0], $0xffff  }
0x41: {  	v38 =	vmin.f32 v19, $8.388669000e+06;
	v19 =	vmin.f32 v20, $8.388669000e+06;
	v22 =	vmax.f32 v26, $8.388608000e+06;
	v26 =	vld.idx.msk [tilespmem:v10+s12+$0x0], $0xffff  }
0x42: {  	v40 =	vmin.f32 v22, $8.388669000e+06;
	v22 =	vadd.s32 $0xB5000000, v19;
	v19 =	vadd.s32 $0xB5000000, v27;
	v27 =	vld.idx.msk [tilespmem:v12+s12+$0x0], $0xffff  }
0x43: {  	v39 =	vmin.f32 v24, $8.388669000e+06;
	vm4 =	vge.f32 v32, v33;
	vm2 =	vge.f32 v29, v35  }
0x44: {  	vm1 =	vge.f32 v30, v36;
	v24 =	vadd.s32 $0xB5000000, v23;
	v18 =	vmax.f32 v18, $8.388608000e+06  }
0x45: {  	s26 =	simm.s32 $0x8040;
	s28 =	simm.s32 $0x80;
	s23 =	sshll.u32 s22, $0xF;
	v23 =	vadd.s32 $0xB5000000, v39;
	v18 =	vmin.f32 v18, $8.388669000e+06;
	vm0 =	vge.f32 v31, v37  }
0x46: {  	s29 =	simm.s32 $0x140;
	s25 =	simm.s32 $0x8040;
	s24 =	sor.u32 s5, s23;
	[tilespmem:s26+$0x30] =	vst v21;
	v20 =	vadd.s32 $0xB5000000, v18;
	v18 =	vadd.s32 $0xB5000000, v38;
	v21 =	vadd.s32 $0xB5000000, v40  }
.LBB2_3:
0x47: {  	s28 =	sadd.s32 $0x80, s28;
	vm5 =	vge.f32 v11, v28;
	v11 =	vld [tilespmem:s29+$0x30];
	vm6 =	vge.f32 v1, v26;
	vm7 =	vge.f32 v2, v27;
	v29 =	vmovc v6  }
0x48: {  	v26 =	vsel vm4, $0x1, v0;
	v27 =	vsel vm3, $0x1, v0;
	v31 =	vmovc v5;
	v1 =	vmovc v7;
	v30 =	vld [tilespmem:s29+$0xFFFFFFD0];
	p1 =	slt.u32 s28, $0x3F80;
	v6 =	vsel vm5, $0x1, v0  }
0x49: {  	v7 =	vsel vm2, $0x1, v0;
	s26 =	sadd.s32 $0x80, s26;
	v2 =	vmovc v8;
	v32 =	vld [tilespmem:s29+$0xFFFFFFE0];
	v5 =	vadd.s32 v6, v25;
	v25 =	vsel vm1, $0x1, v0  }
0x4a: {  	v8 =	vsel vm0, $0x1, v0;
	v28 =	vsel vm6, $0x1, v0;
	v33 =	vsel vm7, $0x1, v0;
	v6 =	vld [tilespmem:s29+$0xFFFFFFF0];
	[tilespmem:s26+$0x30] =	vst v5  }
0x4b: {  	v26 =	vadd.s32 v26, v13;
	v27 =	vadd.s32 v27, v16;
	v34 =	vadd.s32 v7, v17;
	v13 =	vmovc v22;
	v5 =	vld [tilespmem:s29+$0x0]  }
0x4c: {  	v16 =	vmovc v20;
	v25 =	vadd.s32 v25, v15;
	v7 =	vld [tilespmem:s29+$0x10];
	v35 =	vmul.f32 $1.000000000e+01, v11;
	[tilespmem:s25+$0xFFFFFFC0] =	vst v26;
	v26 =	vadd.s32 v8, v14  }
0x4d: {  	v17 =	vmovc v19;
	v36 =	vmul.f32 $1.000000000e+01, v30;
	v8 =	vld [tilespmem:s29+$0x20];
	[tilespmem:s25+$0xFFFFFFD0] =	vst v27;
	v27 =	vadd.s32 v28, v10;
	v28 =	vadd.s32 v33, v12  }
0x4e: {  	v15 =	vmovc v18;
	v14 =	vmovc v24;
	v10 =	vmov v23;
	v33 =	vld [tilespmem:s29+$0xFFFFFFC0];
	v37 =	vmul.f32 $1.000000000e+01, v32;
	v35 =	vadd.f32 $8.388638000e+06, v35;
	[tilespmem:s25+$0xFFFFFFE0] =	vst v34  }
0x4f: {  	v12 =	vmov v21;
	v23 =	vadd.f32 $8.388638000e+06, v36;
	v24 =	vmul.f32 $1.000000000e+01, v6;
	v34 =	vld.idx.msk [tilespmem:v22+s12+$0x0], $0xffff;
	[tilespmem:s25+$0xFFFFFFF0] =	vst v25  }
0x50: {  	v21 =	vadd.f32 $8.388638000e+06, v37;
	v22 =	vmul.f32 $1.000000000e+01, v5;
	v25 =	vmax.f32 v35, $8.388608000e+06;
	v35 =	vld.idx.msk [tilespmem:v20+s12+$0x0], $0xffff;
	[tilespmem:s25+$0x0] =	vst v26  }
0x51: {  	v20 =	vadd.f32 $8.388638000e+06, v24;
	v24 =	vmul.f32 $1.000000000e+01, v7;
	v25 =	vmin.f32 v25, $8.388669000e+06;
	v36 =	vld.idx.msk [tilespmem:v19+s12+$0x0], $0xffff;
	[tilespmem:s25+$0x10] =	vst v27  }
0x52: {  	v19 =	vadd.f32 $8.388638000e+06, v22;
	v22 =	vmul.f32 $1.000000000e+01, v8;
	v25 =	vadd.s32 $0xB5000000, v25;
	v37 =	vld.idx.msk [tilespmem:v18+s12+$0x0], $0xffff;
	[tilespmem:s25+$0x20] =	vst v28;
	s25 =	smov.u32 s26  }
0x53: {  	v23 =	vmax.f32 v23, $8.388608000e+06;
	v18 =	vmul.f32 $1.000000000e+01, v33;
	v24 =	vadd.f32 $8.388638000e+06, v24;
	v38 =	vld.idx.msk [tilespmem:v14+s12+$0x0], $0xffff  }
0x54: {  	v21 =	vmax.f32 v21, $8.388608000e+06;
	v20 =	vmax.f32 v20, $8.388608000e+06;
	v22 =	vadd.f32 $8.388638000e+06, v22;
	v26 =	vld.idx.msk [tilespmem:v10+s12+$0x0], $0xffff  }
0x55: {  	v19 =	vmax.f32 v19, $8.388608000e+06;
	v18 =	vadd.f32 $8.388638000e+06, v18;
	v24 =	vmax.f32 v24, $8.388608000e+06;
	v27 =	vld.idx.msk [tilespmem:v12+s12+$0x0], $0xffff  }
0x56: {  	v23 =	vmin.f32 v23, $8.388669000e+06;
	v21 =	vmin.f32 v21, $8.388669000e+06;
	v22 =	vmax.f32 v22, $8.388608000e+06  }
0x57: {  	v39 =	vmin.f32 v20, $8.388669000e+06;
	v40 =	vmin.f32 v19, $8.388669000e+06;
	v18 =	vmax.f32 v18, $8.388608000e+06;
	v28 =	vld.idx.msk [tilespmem:v25+s12+$0x0], $0xffff  }
.Ltmp2:
0x58: {  	v41 =	vmin.f32 v24, $8.388669000e+06;
	v42 =	vmin.f32 v22, $8.388669000e+06;
	v18 =	vmin.f32 v18, $8.388669000e+06;
	(pc) =	sbr.rel @p1 .LBB2_3-.Ltmp2, $4  }
0x59: {  	v20 =	vadd.s32 $0xB5000000, v23;
	v19 =	vadd.s32 $0xB5000000, v21;
	v22 =	vadd.s32 $0xB5000000, v18  }
0x5a: {  	v24 =	vadd.s32 $0xB5000000, v40;
	v23 =	vadd.s32 $0xB5000000, v41;
	v18 =	vadd.s32 $0xB5000000, v39  }
0x5b: {  	vm4 =	vge.f32 v9, v34;
	v9 =	vmovc v33;
	vm3 =	vge.f32 v3, v35;
	v3 =	vmovc v30;
	v21 =	vadd.s32 $0xB5000000, v42  }
0x5c: {  	s29 =	sadd.s32 $0x80, s29;
	vm2 =	vge.f32 v4, v36;
	v4 =	vmovc v32;
	vm1 =	vge.f32 v29, v37;
	vm0 =	vge.f32 v31, v38  }
0x5d: {  	_ =	sdelay $0x2  }
0x5e: {  	v49 =	vsel vm4, $0x1, v0  }
0x5f: {  	v50 =	vsel vm3, $0x1, v0;
	v52 =	vld.idx.msk [tilespmem:v22+s12+$0x0], $0xffff;
	v51 =	vadd.s32 v49, v13  }
0x60: {  	v53 =	vsel vm2, $0x1, v0;
	v54 =	vld.idx.msk [tilespmem:v20+s12+$0x0], $0xffff;
	v16 =	vadd.s32 v50, v16;
	[tilespmem:s25+$0xFFFFFFC0] =	vst v51  }
0x61: {  	vm5 =	vge.f32 v11, v28;
	v55 =	vsel vm1, $0x1, v0;
	v56 =	vld.idx.msk [tilespmem:v19+s12+$0x0], $0xffff;
	v17 =	vadd.s32 v53, v17;
	[tilespmem:s25+$0xFFFFFFD0] =	vst v16  }
0x62: {  	vm7 =	vge.f32 v1, v26;
	v1 =	vsel vm0, $0x1, v0;
	v57 =	vld.idx.msk [tilespmem:v18+s12+$0x0], $0xffff;
	v15 =	vadd.s32 v55, v15;
	[tilespmem:s25+$0xFFFFFFE0] =	vst v17  }
0x63: {  	vm8 =	vge.f32 v2, v27;
	v58 =	vld.idx.msk [tilespmem:v24+s12+$0x0], $0xffff;
	v11 =	vsel vm5, $0x1, v0;
	v1 =	vadd.s32 v1, v14;
	[tilespmem:s25+$0xFFFFFFF0] =	vst v15  }
0x64: {  	s26 =	sadd.s32 $0x80, s26;
	v2 =	vsel vm7, $0x1, v0;
	v59 =	vsel vm8, $0x1, v0;
	v11 =	vadd.s32 v11, v25;
	[tilespmem:s25+$0x0] =	vst v1;
	v1 =	vld.idx.msk [tilespmem:v23+s12+$0x0], $0xffff  }
0x65: {  	v2 =	vadd.s32 v2, v10;
	v60 =	vadd.s32 v59, v12;
	[tilespmem:s26+$0x30] =	vst v11;
	vm9 =	vge.f32 v9, v52  }
0x66: {  	[tilespmem:s25+$0x10] =	vst v2;
	v2 =	vld.idx.msk [tilespmem:v21+s12+$0x0], $0xffff;
	vm10 =	vge.f32 v3, v54;
	vm11 =	vge.f32 v4, v56;
	v3 =	vsel vm9, $0x1, v0  }
0x67: {  	[tilespmem:s25+$0x20] =	vst v60;
	vm12 =	vge.f32 v6, v57;
	v61 =	vsel vm10, $0x1, v0;
	v3 =	vadd.s32 v3, v22  }
0x68: {  	vm13 =	vge.f32 v5, v58;
	v62 =	vsel vm11, $0x1, v0;
	v4 =	vadd.s32 v61, v20;
	[tilespmem:s26+$0xFFFFFFC0] =	vst v3  }
0x69: {  	v63 =	vadd.s32 v62, v19;
	vm14 =	vge.f32 v7, v1;
	v1 =	vsel vm13, $0x1, v0;
	[tilespmem:s26+$0xFFFFFFD0] =	vst v4  }
0x6a: {  	p1 =	sne.s32 s22, $0x1F;
	v3 =	vsel vm12, $0x1, v0;
	[tilespmem:s26+$0xFFFFFFE0] =	vst v63;
	v1 =	vadd.s32 v1, v24  }
.Ltmp3:
0x6b: {  	vm15 =	vge.f32 v8, v2;
	v2 =	vsel vm14, $0x1, v0;
	v3 =	vadd.s32 v3, v18;
	[tilespmem:s26+$0x0] =	vst v1;
	(pc) =	sbr.rel @p1 .LBB2_6-.Ltmp3, $4  }
0x6c: {  	v2 =	vadd.s32 v2, v23;
	[tilespmem:s26+$0xFFFFFFF0] =	vst v3;
	v3 =	vsel vm15, $0x1, v0  }
0x6d: {  	s24 =	sshrl.u32 s24, $0x3;
	[tilespmem:s26+$0x10] =	vst v2;
	v1 =	vadd.s32 v3, v21  }
0x6e: {  	s31 =	sadd.s32 s3, s24;
	[tilespmem:s26+$0x20] =	vst v1  }
0x6f: {  	[hbm4b:s31+s4] =	stream.linear.scatter [tilespmem:s16], [sflag:$0x3], $0x4000, $0x38;
	[tilespmem:$0x10080] =	vst v63  }
.Ltmp4:
0x70: {  	(pc) =	sbr.rel .LBB2_7-.Ltmp4, $4  }
0x71: {  	_ = 	snop  }
0x72: {  	_ =	swait.ge [sflag:s17], $0x4000  }
0x73: {  	[sflag:s17] =	ssyncset.done $0x0  }
0x74: {  	[sflag:s17] =	ssyncadd.s32 $0xFFFFC000  }
.LBB2_6:
0x75: {  	s25 =	sadd.s32 s23, s9  }
0x76: {  	s25 =	sshrl.u32 s25, $0x3  }
.Ltmp5:
0x77: {  	s25 =	sadd.s32 s1, s25;
	(pc) =	sbr.rel @p0 .LBB2_8-.Ltmp5, $4  }
0x78: {  	[tilespmem:s4], [sflag:$0x1] =	stream.linear.gather [hbm4b:s25+s4], $0x4000, $0x38;
	[tilespmem:$0x10080] =	vst v63  }
0x79: {  	_ =	swait.ge [sflag:s17], $0x4000  }
0x7a: {  	[sflag:s17] =	ssyncset.done $0x0  }
0x7b: {  	[sflag:s17] =	ssyncadd.s32 $0xFFFFC000  }
.LBB2_7:
0x7c: {  	_ =	swait.ge [sflag:s18], $0x4000  }
0x7d: {  	[sflag:s18] =	ssyncset.done $0x0  }
0x7e: {  	[sflag:s18] =	ssyncadd.s32 $0xFFFFC000  }
.LBB2_8:
0x7f: {  	s25 =	simm.s32 $0x4040  }
0x80: {  	v8 =	vld [tilespmem:s25+$0x30]  }
0x81: {  	v29 =	vld [tilespmem:s25+$0xFFFFFFE0]  }
0x82: {  	v30 =	vld [tilespmem:s25+$0xFFFFFFF0]  }
0x83: {  	v1 =	vld [tilespmem:s25+$0x10]  }
0x84: {  	v32 =	vld [tilespmem:s25+$0xFFFFFFC0];
	_ =	sdelay $0x1  }
0x85: {  	v28 =	vld [tilespmem:s25+$0xFFFFFFD0]  }
0x86: {  	v2 =	vmul.f32 $1.000000000e+01, v8  }
0x87: {  	v5 =	vmul.f32 $1.000000000e+01, v29;
	v6 =	vmul.f32 $1.000000000e+01, v30  }
0x88: {  	v7 =	vmul.f32 $1.000000000e+01, v1;
	v10 =	vmul.f32 $1.000000000e+01, v32;
	v3 =	vadd.f32 $8.388638000e+06, v2  }
0x89: {  	v31 =	vld [tilespmem:s25+$0x0];
	v5 =	vadd.f32 $8.388638000e+06, v5;
	v6 =	vadd.f32 $8.388638000e+06, v6  }
0x8a: {  	v4 =	vmul.f32 $1.000000000e+01, v28;
	v2 =	vld [tilespmem:s25+$0x20];
	v7 =	vadd.f32 $8.388638000e+06, v7;
	v10 =	vadd.f32 $8.388638000e+06, v10  }
0x8b: {  	v3 =	vmax.f32 v3, $8.388608000e+06;
	v5 =	vmax.f32 v5, $8.388608000e+06;
	v6 =	vmax.f32 v6, $8.388608000e+06  }
0x8c: {  	v7 =	vmax.f32 v7, $8.388608000e+06;
	v10 =	vmax.f32 v10, $8.388608000e+06;
	v3 =	vmin.f32 v3, $8.388669000e+06  }
0x8d: {  	s31 =	simm.s32 $0x40C0;
	v5 =	vmin.f32 v5, $8.388669000e+06;
	v14 =	vmin.f32 v6, $8.388669000e+06;
	v18 =	vadd.s32 $0xB5000000, v3  }
0x8e: {  	v11 =	vld [tilespmem:s31+$0x30];
	v6 =	vmin.f32 v10, $8.388669000e+06;
	v3 =	vadd.f32 $8.388638000e+06, v4;
	v4 =	vmul.f32 $1.000000000e+01, v31  }
0x8f: {  	v7 =	vmin.f32 v7, $8.388669000e+06;
	v17 =	vadd.s32 $0xB5000000, v5;
	v5 =	vld [tilespmem:s31+$0x0];
	v9 =	vmul.f32 $1.000000000e+01, v2  }
0x90: {  	v10 =	vadd.s32 $0xB5000000, v7;
	v7 =	vld [tilespmem:s31+$0x10];
	v4 =	vadd.f32 $8.388638000e+06, v4;
	v3 =	vmax.f32 v3, $8.388608000e+06  }
0x91: {  	v9 =	vadd.f32 $8.388638000e+06, v9;
	v12 =	vmin.f32 v3, $8.388669000e+06;
	v3 =	vld [tilespmem:s31+$0xFFFFFFD0]  }
0x92: {  	v13 =	vadd.s32 $0xB5000000, v6;
	v15 =	vadd.s32 $0xB5000000, v14;
	v4 =	vmax.f32 v4, $8.388608000e+06;
	v19 =	vld.idx.msk [tilespmem:v18+s12+$0x0], $0xffff  }
0x93: {  	v16 =	vadd.s32 $0xB5000000, v12;
	v9 =	vmax.f32 v9, $8.388608000e+06;
	v20 =	vmin.f32 v4, $8.388669000e+06  }
0x94: {  	v6 =	vld [tilespmem:s31+$0xFFFFFFF0];
	v9 =	vmin.f32 v9, $8.388669000e+06;
	v14 =	vadd.s32 $0xB5000000, v20;
	v20 =	vmul.f32 $1.000000000e+01, v11  }
0x95: {  	v23 =	vmul.f32 $1.000000000e+01, v5;
	v12 =	vadd.s32 $0xB5000000, v9;
	v9 =	vld [tilespmem:s31+$0xFFFFFFC0]  }
0x96: {  	v4 =	vld [tilespmem:s31+$0xFFFFFFE0];
	v24 =	vmul.f32 $1.000000000e+01, v7;
	v20 =	vadd.f32 $8.388638000e+06, v20  }
0x97: {  	v23 =	vadd.f32 $8.388638000e+06, v23;
	vm0 =	vge.f32 v8, v19;
	v19 =	vmul.f32 $1.000000000e+01, v3;
	v8 =	vld [tilespmem:s31+$0x20]  }
0x98: {  	v24 =	vadd.f32 $8.388638000e+06, v24;
	v34 =	vld.idx.msk [tilespmem:v16+s12+$0x0], $0xffff;
	v20 =	vmax.f32 v20, $8.388608000e+06;
	v21 =	vsel vm0, $0x1, v0  }
0x99: {  	v20 =	vmin.f32 v20, $8.388669000e+06;
	v21 =	vadd.s32 v21, v18;
	v18 =	vadd.f32 $8.388638000e+06, v19  }
0x9a: {  	v19 =	vmul.f32 $1.000000000e+01, v6;
	v25 =	vadd.s32 $0xB5000000, v20;
	v20 =	vmul.f32 $1.000000000e+01, v9  }
0x9b: {  	v33 =	vld.idx.msk [tilespmem:v13+s12+$0x0], $0xffff;
	v23 =	vmax.f32 v23, $8.388608000e+06;
	v24 =	vmax.f32 v24, $8.388608000e+06  }
0x9c: {  	v35 =	vld.idx.msk [tilespmem:v17+s12+$0x0], $0xffff;
	v19 =	vadd.f32 $8.388638000e+06, v19;
	v20 =	vadd.f32 $8.388638000e+06, v20;
	v26 =	vmul.f32 $1.000000000e+01, v8  }
0x9d: {  	v36 =	vld.idx.msk [tilespmem:v15+s12+$0x0], $0xffff;
	v22 =	vmul.f32 $1.000000000e+01, v4;
	v18 =	vmax.f32 v18, $8.388608000e+06;
	vm3 =	vge.f32 v28, v34  }
0x9e: {  	v37 =	vld.idx.msk [tilespmem:v14+s12+$0x0], $0xffff;
	v19 =	vmax.f32 v19, $8.388608000e+06;
	v20 =	vmax.f32 v20, $8.388608000e+06;
	v26 =	vadd.f32 $8.388638000e+06, v26  }
0x9f: {  	v18 =	vmin.f32 v18, $8.388669000e+06;
	v27 =	vmin.f32 v19, $8.388669000e+06;
	v19 =	vmin.f32 v20, $8.388669000e+06;
	v28 =	vld.idx.msk [tilespmem:v25+s12+$0x0], $0xffff  }
0xa0: {  	v20 =	vadd.s32 $0xB5000000, v18;
	v18 =	vadd.s32 $0xB5000000, v27;
	v27 =	vld.idx.msk [tilespmem:v12+s12+$0x0], $0xffff;
	v26 =	vmax.f32 v26, $8.388608000e+06  }
0xa1: {  	v38 =	vmin.f32 v23, $8.388669000e+06;
	v22 =	vadd.f32 $8.388638000e+06, v22;
	v40 =	vmin.f32 v26, $8.388669000e+06;
	v26 =	vld.idx.msk [tilespmem:v10+s12+$0x0], $0xffff  }
0xa2: {  	v39 =	vmin.f32 v24, $8.388669000e+06;
	vm4 =	vge.f32 v32, v33;
	vm2 =	vge.f32 v29, v35  }
0xa3: {  	vm1 =	vge.f32 v30, v36;
	v24 =	vadd.s32 $0xB5000000, v38;
	v22 =	vmax.f32 v22, $8.388608000e+06  }
0xa4: {  	s26 =	simm.s32 $0xC040;
	v22 =	vmin.f32 v22, $8.388669000e+06;
	vm0 =	vge.f32 v31, v37;
	v23 =	vadd.s32 $0xB5000000, v19  }
0xa5: {  	s28 =	simm.s32 $0x80;
	s29 =	simm.s32 $0x4140;
	s25 =	simm.s32 $0xC040;
	[tilespmem:s26+$0x30] =	vst v21;
	v19 =	vadd.s32 $0xB5000000, v22;
	v22 =	vadd.s32 $0xB5000000, v39;
	v21 =	vadd.s32 $0xB5000000, v40  }
.LBB2_9:
0xa6: {  	s28 =	sadd.s32 $0x80, s28;
	vm5 =	vge.f32 v11, v28;
	v11 =	vld [tilespmem:s29+$0x30];
	vm6 =	vge.f32 v1, v26;
	vm7 =	vge.f32 v2, v27;
	v29 =	vmovc v6  }
0xa7: {  	v26 =	vsel vm4, $0x1, v0;
	v27 =	vsel vm3, $0x1, v0;
	v31 =	vmovc v5;
	v1 =	vmovc v7;
	v30 =	vld [tilespmem:s29+$0xFFFFFFD0];
	p0 =	slt.u32 s28, $0x3F80;
	v6 =	vsel vm5, $0x1, v0  }
0xa8: {  	v7 =	vsel vm2, $0x1, v0;
	s26 =	sadd.s32 $0x80, s26;
	v2 =	vmovc v8;
	v32 =	vld [tilespmem:s29+$0xFFFFFFE0];
	v5 =	vadd.s32 v6, v25;
	v25 =	vsel vm1, $0x1, v0  }
0xa9: {  	v8 =	vsel vm0, $0x1, v0;
	v28 =	vsel vm6, $0x1, v0;
	v33 =	vsel vm7, $0x1, v0;
	v6 =	vld [tilespmem:s29+$0xFFFFFFF0];
	[tilespmem:s26+$0x30] =	vst v5  }
0xaa: {  	v26 =	vadd.s32 v26, v13;
	v27 =	vadd.s32 v27, v16;
	v34 =	vadd.s32 v7, v17;
	v13 =	vmovc v23;
	v5 =	vld [tilespmem:s29+$0x0]  }
0xab: {  	v16 =	vmovc v20;
	v25 =	vadd.s32 v25, v15;
	v7 =	vld [tilespmem:s29+$0x10];
	v35 =	vmul.f32 $1.000000000e+01, v11;
	[tilespmem:s25+$0xFFFFFFC0] =	vst v26;
	v26 =	vadd.s32 v8, v14  }
0xac: {  	v17 =	vmovc v19;
	v36 =	vmul.f32 $1.000000000e+01, v30;
	v8 =	vld [tilespmem:s29+$0x20];
	[tilespmem:s25+$0xFFFFFFD0] =	vst v27;
	v27 =	vadd.s32 v28, v10;
	v28 =	vadd.s32 v33, v12  }
0xad: {  	v15 =	vmovc v18;
	v14 =	vmovc v24;
	v10 =	vmov v22;
	v33 =	vld [tilespmem:s29+$0xFFFFFFC0];
	v37 =	vmul.f32 $1.000000000e+01, v32;
	v35 =	vadd.f32 $8.388638000e+06, v35;
	[tilespmem:s25+$0xFFFFFFE0] =	vst v34  }
0xae: {  	v12 =	vmov v21;
	v22 =	vadd.f32 $8.388638000e+06, v36;
	v24 =	vmul.f32 $1.000000000e+01, v6;
	v34 =	vld.idx.msk [tilespmem:v23+s12+$0x0], $0xffff;
	[tilespmem:s25+$0xFFFFFFF0] =	vst v25  }
0xaf: {  	v21 =	vadd.f32 $8.388638000e+06, v37;
	v23 =	vmul.f32 $1.000000000e+01, v5;
	v25 =	vmax.f32 v35, $8.388608000e+06;
	v35 =	vld.idx.msk [tilespmem:v20+s12+$0x0], $0xffff;
	[tilespmem:s25+$0x0] =	vst v26  }
0xb0: {  	v20 =	vadd.f32 $8.388638000e+06, v24;
	v24 =	vmul.f32 $1.000000000e+01, v7;
	v25 =	vmin.f32 v25, $8.388669000e+06;
	v36 =	vld.idx.msk [tilespmem:v19+s12+$0x0], $0xffff;
	[tilespmem:s25+$0x10] =	vst v27  }
0xb1: {  	v19 =	vadd.f32 $8.388638000e+06, v23;
	v23 =	vmul.f32 $1.000000000e+01, v8;
	v25 =	vadd.s32 $0xB5000000, v25;
	v37 =	vld.idx.msk [tilespmem:v18+s12+$0x0], $0xffff;
	[tilespmem:s25+$0x20] =	vst v28;
	s25 =	smov.u32 s26  }
0xb2: {  	v22 =	vmax.f32 v22, $8.388608000e+06;
	v18 =	vmul.f32 $1.000000000e+01, v33;
	v24 =	vadd.f32 $8.388638000e+06, v24;
	v38 =	vld.idx.msk [tilespmem:v14+s12+$0x0], $0xffff  }
0xb3: {  	v21 =	vmax.f32 v21, $8.388608000e+06;
	v20 =	vmax.f32 v20, $8.388608000e+06;
	v23 =	vadd.f32 $8.388638000e+06, v23;
	v26 =	vld.idx.msk [tilespmem:v10+s12+$0x0], $0xffff  }
0xb4: {  	v19 =	vmax.f32 v19, $8.388608000e+06;
	v18 =	vadd.f32 $8.388638000e+06, v18;
	v24 =	vmax.f32 v24, $8.388608000e+06;
	v27 =	vld.idx.msk [tilespmem:v12+s12+$0x0], $0xffff  }
0xb5: {  	v22 =	vmin.f32 v22, $8.388669000e+06;
	v21 =	vmin.f32 v21, $8.388669000e+06;
	v23 =	vmax.f32 v23, $8.388608000e+06  }
0xb6: {  	v39 =	vmin.f32 v20, $8.388669000e+06;
	v40 =	vmin.f32 v19, $8.388669000e+06;
	v18 =	vmax.f32 v18, $8.388608000e+06;
	v28 =	vld.idx.msk [tilespmem:v25+s12+$0x0], $0xffff  }
.Ltmp6:
0xb7: {  	v41 =	vmin.f32 v24, $8.388669000e+06;
	v42 =	vmin.f32 v23, $8.388669000e+06;
	v18 =	vmin.f32 v18, $8.388669000e+06;
	(pc) =	sbr.rel @p0 .LBB2_9-.Ltmp6, $4  }
0xb8: {  	v20 =	vadd.s32 $0xB5000000, v22;
	v19 =	vadd.s32 $0xB5000000, v21;
	v23 =	vadd.s32 $0xB5000000, v18  }
0xb9: {  	v24 =	vadd.s32 $0xB5000000, v40;
	v22 =	vadd.s32 $0xB5000000, v41;
	v18 =	vadd.s32 $0xB5000000, v39  }
0xba: {  	vm4 =	vge.f32 v9, v34;
	v9 =	vmovc v33;
	vm3 =	vge.f32 v3, v35;
	v3 =	vmovc v30;
	v21 =	vadd.s32 $0xB5000000, v42  }
0xbb: {  	s29 =	sadd.s32 $0x80, s29;
	vm2 =	vge.f32 v4, v36;
	v4 =	vmovc v32;
	vm1 =	vge.f32 v29, v37;
	vm0 =	vge.f32 v31, v38  }
0xbc: {  	_ =	sdelay $0x2  }
0xbd: {  	v49 =	vsel vm4, $0x1, v0  }
0xbe: {  	v50 =	vsel vm3, $0x1, v0;
	v52 =	vld.idx.msk [tilespmem:v23+s12+$0x0], $0xffff;
	v51 =	vadd.s32 v49, v13  }
0xbf: {  	v53 =	vsel vm2, $0x1, v0;
	v54 =	vld.idx.msk [tilespmem:v20+s12+$0x0], $0xffff;
	v16 =	vadd.s32 v50, v16;
	[tilespmem:s25+$0xFFFFFFC0] =	vst v51  }
0xc0: {  	vm5 =	vge.f32 v11, v28;
	v55 =	vsel vm1, $0x1, v0;
	v56 =	vld.idx.msk [tilespmem:v19+s12+$0x0], $0xffff;
	v17 =	vadd.s32 v53, v17;
	[tilespmem:s25+$0xFFFFFFD0] =	vst v16  }
0xc1: {  	vm7 =	vge.f32 v1, v26;
	v1 =	vsel vm0, $0x1, v0;
	v57 =	vld.idx.msk [tilespmem:v18+s12+$0x0], $0xffff;
	v15 =	vadd.s32 v55, v15;
	[tilespmem:s25+$0xFFFFFFE0] =	vst v17  }
0xc2: {  	vm8 =	vge.f32 v2, v27;
	v58 =	vld.idx.msk [tilespmem:v24+s12+$0x0], $0xffff;
	v11 =	vsel vm5, $0x1, v0;
	v1 =	vadd.s32 v1, v14;
	[tilespmem:s25+$0xFFFFFFF0] =	vst v15  }
0xc3: {  	s26 =	sadd.s32 $0x80, s26;
	v2 =	vsel vm7, $0x1, v0;
	v59 =	vsel vm8, $0x1, v0;
	v11 =	vadd.s32 v11, v25;
	[tilespmem:s25+$0x0] =	vst v1;
	v1 =	vld.idx.msk [tilespmem:v22+s12+$0x0], $0xffff  }
0xc4: {  	v2 =	vadd.s32 v2, v10;
	v60 =	vadd.s32 v59, v12;
	[tilespmem:s26+$0x30] =	vst v11;
	vm9 =	vge.f32 v9, v52  }
0xc5: {  	[tilespmem:s25+$0x10] =	vst v2;
	v2 =	vld.idx.msk [tilespmem:v21+s12+$0x0], $0xffff;
	vm10 =	vge.f32 v3, v54;
	vm11 =	vge.f32 v4, v56;
	v3 =	vsel vm9, $0x1, v0  }
0xc6: {  	[tilespmem:s25+$0x20] =	vst v60;
	vm12 =	vge.f32 v6, v57;
	v61 =	vsel vm10, $0x1, v0;
	v3 =	vadd.s32 v3, v23  }
0xc7: {  	vm13 =	vge.f32 v5, v58;
	v62 =	vsel vm11, $0x1, v0;
	v4 =	vadd.s32 v61, v20;
	[tilespmem:s26+$0xFFFFFFC0] =	vst v3  }
0xc8: {  	v63 =	vadd.s32 v62, v19;
	vm14 =	vge.f32 v7, v1;
	v1 =	vsel vm13, $0x1, v0;
	[tilespmem:s26+$0xFFFFFFD0] =	vst v4  }
0xc9: {  	p0 =	seq.s32 s22, $0x1F;
	v3 =	vsel vm12, $0x1, v0;
	[tilespmem:s26+$0xFFFFFFE0] =	vst v63;
	v1 =	vadd.s32 v1, v24  }
.Ltmp7:
0xca: {  	vm15 =	vge.f32 v8, v2;
	v2 =	vsel vm14, $0x1, v0;
	v3 =	vadd.s32 v3, v18;
	[tilespmem:s26+$0x0] =	vst v1;
	(pc) =	sbr.rel @p0 .LBB2_12-.Ltmp7, $4  }
0xcb: {  	v2 =	vadd.s32 v2, v22;
	[tilespmem:s26+$0xFFFFFFF0] =	vst v3;
	v3 =	vsel vm15, $0x1, v0  }
0xcc: {  	s24 =	sadd.s32 s24, s3;
	[tilespmem:s26+$0x10] =	vst v2;
	v1 =	vadd.s32 v3, v21  }
0xcd: {  	s24 =	sadd.s32 $0x800, s24;
	[tilespmem:s26+$0x20] =	vst v1  }
0xce: {  	[hbm4b:s24+s4] =	stream.linear.scatter [tilespmem:s19], [sflag:$0x4], $0x4000, $0x38;
	[tilespmem:$0x10080] =	vst v63  }
.Ltmp8:
0xcf: {  	(pc) =	sbr.rel .LBB2_2-.Ltmp8, $4  }
0xd0: {  	s23 =	sadd.s32 s23, s10  }
0xd1: {  	s23 =	sshrl.u32 s23, $0x3  }
0xd2: {  	s22 =	sadd.s32 $0x1, s22;
	s23 =	sadd.s32 s1, s23  }
0xd3: {  	[tilespmem:s14], [sflag:$0x2] =	stream.linear.gather [hbm4b:s23+s4], $0x4000, $0x38;
	[tilespmem:$0x10080] =	vst v63  }
.LBB2_13:
0xd4: {  	_ =	sfence.sel $0x180000  }
0xd5: {  	[bflag:$0x0] =	sbarrier.arrive $0xFFFF  }
0xd6: {  	p0 =	sne.s32 s2, $0x0;
	_ =	strace $0x90000047  }
0xd7: {  	s0 =	sadd.s32 @!p0 $0x100000, s0;
	[bflag:$0x2] =	sbarrier.arrive $0xFFFF  }
0xd8: {  	[sflag:s0] =	ssyncadd.tile.s32 @!p0 $0x1;
	_ =	shalt  }
.Lfunc_end2:
_tile_overlayer_lowered:
.L_overlay_start_2:
0xd9: {  	(tag) =	ssettag $0x2  }
0xda: {  	s0 =	rddreg [dreg:$0x0];
	s2 =	stileid.u32  }
0xdb: {  	s1 =	rddreg [dreg:$0x1];
	p0 =	sne.s32 s2, $0x0  }
0xdc: {  	s3 =	rddreg [dreg:$0x2];
	[bflag:$0x3] =	sbarrier.arrive $0xFFFF;
	s2 =	simm.s32 @!p0 $0x1C05  }
0xdd: {  	[timem:s3], [sflag:s2] =	dma.local @!p0 [hbm:s0], s1  }
0xde: {  	s0 =	simm.s32 @!p0 $0x5  }
0xdf: {  	_ =	swait.ge @!p0 [sflag:s0], s1  }
0xe0: {  	s1 =	ssub.s32 @!p0 $0x0, s1;
	[sflag:s0] =	ssyncset.done @!p0 $0x0  }
0xe1: {  	[sflag:s0] =	ssyncadd.s32 @!p0 s1  }
0xe2: {  	[bflag:$0x3] =	sbarrier.arrive $0xFFFF  }
0xe3: {  	_ =	shalt  }

</sc_bundles>
